<compile_context>
chip_gen: v7x
topology: tpu7x:2x2x1
jax: 0.10.2.dev20260603
libtpu: 0.0.44.dev20260713+nightly
codegen_flags: <defaults>
</compile_context>

<pallas_src>
import functools

import jax
import jax.numpy as jnp
from jax import lax
from jax.experimental import pallas as pl
from jax.experimental.pallas import tpu as pltpu
from jax.experimental.pallas import tpu_sc as plsc

F = 26
V = 100001
B = 16384
D = 32
L = 16

NW = 32
ROWS = F * D
ROWS_PER_W = ROWS // NW
HALF = B // 2
QUARTER = B // 4
SL_PER_STEP = 8
STEPS = HALF // (L * SL_PER_STEP)
QSTEPS = QUARTER // (L * SL_PER_STEP)


@functools.partial(
    pl.kernel,
    out_type=jax.ShapeDtypeStruct((F, D, B), jnp.float32),
    mesh=plsc.VectorSubcoreMesh(core_axis_name="c", subcore_axis_name="s"),
    compiler_params=pltpu.CompilerParams(needs_layout_passes=False),
    scratch_types=[
        pltpu.VMEM((V,), jnp.float32),
        pltpu.VMEM((B,), jnp.int32),
        pltpu.VMEM((HALF,), jnp.float32),
    ],
)
def _lookup(idx_hbm, tab_hbm, out_hbm, row_v, idx_v, outb_v):
    wid = lax.axis_index("s") * 2 + lax.axis_index("c")

    def row_body(r, prev_f):
        fd = wid * ROWS_PER_W + r
        f = fd // D
        d = fd - f * D

        @pl.when(f != prev_f)
        def _():
            pltpu.sync_copy(idx_hbm.at[f], idx_v)

        pltpu.sync_copy(tab_hbm.at[f, d], row_v)
        for h in range(2):

            def step(j, c):
                base = h * HALF + j * (L * SL_PER_STEP)
                for s in range(SL_PER_STEP):
                    o = base + s * L
                    v = jnp.maximum(idx_v[pl.ds(o, L)], 0)
                    outb_v[pl.ds(o - h * HALF, L)] = plsc.load_gather(row_v, [v])
                return c

            lax.fori_loop(0, STEPS, step, 0)
            pltpu.sync_copy(outb_v, out_hbm.at[f, d, pl.ds(h * HALF, HALF)])
        return f

    lax.fori_loop(0, ROWS_PER_W, row_body, -1)


def kernel(x_cat, tables):
    idx_t = jnp.transpose(x_cat.astype(jnp.int32))
    tab_t = jnp.transpose(tables, (0, 2, 1))
    out_t = _lookup(idx_t, tab_t)
    return jnp.transpose(out_t, (2, 0, 1))

# --- scband reference (transcript-rebuilt; emitter-appended) ---
"""Pipeline reference for scband-categorical-tokenizer-77300821393529 (READ-ONLY COPY).

The authoritative reference and input builder live on the scoring server;
editing this copy changes nothing except your own understanding.
"""

import jax, jax.numpy as jnp
import numpy as np

N_FIELDS = 26
VOCAB = 100000
D_TOK = 32
BATCH = 16384

def setup_inputs(seed: int = 0) -> dict:
    key = jax.random.key(seed)
    k_idx, k_tab = jax.random.split(key)
    x_cat = jax.random.randint(k_idx, (BATCH, N_FIELDS), 0, VOCAB, dtype=jnp.int64) if jax.config.jax_enable_x64 else jax.random.randint(k_idx, (BATCH, N_FIELDS), 0, VOCAB, dtype=jnp.int32)
    # one table per field, each of size (card + 1, d_tok); stacked since all cardinalities equal
    tables = jax.random.normal(k_tab, (N_FIELDS, VOCAB + 1, D_TOK), dtype=jnp.float32) * 0.02
    return {"x_cat": x_cat, "tables": tables}

def reference(x_cat, tables):
    # faithful to: toks = [emb(x_cat[:, i].clamp_min(0)) for i, emb in enumerate(self.embs)]; stack(dim=1)
    idx = jnp.clip(x_cat, 0)  # clamp_min(0)
    field_ids = jnp.arange(tables.shape[0])[None, :]  # [1, F]
    # gather: out[b, f, :] = tables[f, idx[b, f], :]
    out = tables[field_ids, idx]  # [B, F, D]
    return out

if __name__ == "__main__":
    import jax
    _d = setup_inputs()
    print(jax.jit(kernel)(*tuple(_d.values())))

</pallas_src>

<mosaic_0001>
#map = affine_map<(d0, d1) -> (0, 0)>
#map1 = affine_map<(d0, d1) -> (0, 0, 0)>
module attributes {stable_mosaic.version = 14 : i64} {
  func.func @_lookup(%arg0: i32, %arg1: i32, %arg2: memref<26x16384xi32, #tpu.memory_space<hbm>>, %arg3: memref<26x32x100001xf32, #tpu.memory_space<hbm>>, %arg4: memref<26x32x16384xf32, #tpu.memory_space<hbm>>, %arg5: memref<100001xf32, #tpu.memory_space<vmem>>, %arg6: memref<16384xi32, #tpu.memory_space<vmem>>, %arg7: memref<8192xf32, #tpu.memory_space<vmem>>) attributes {dimension_semantics = [#tpu.dimension_semantics<core_parallel>, #tpu.dimension_semantics<subcore_parallel>], iteration_bounds = array<i64: 2, 16>, scalar_prefetch = 0 : i64, scratch_operands = 3 : i64, tpu.core_type = #tpu.core_type<sc_vector_subcore>, window_params = [{transform_indices = #map}, {transform_indices = #map1}, {transform_indices = #map1}]} {
    %mul3A = arith.constant 2 : i32
    %mul3A_0 = arith.muli %arg1, %mul3A : i32
    %add3A = arith.addi %mul3A_0, %arg0 : i32
    %scan3A = arith.constant -1 : i32
    %scan3A_1 = arith.constant 0 : i32
    %scan3A_2 = arith.constant 26 : i32
    %scan3A_3 = arith.addi %scan3A_1, %scan3A_2 : i32
    %scan3A_4 = arith.constant 1 : i32
    %scan3A_5 = scf.for %scan3A_7 = %scan3A_1 to %scan3A_3 step %scan3A_4 iter_args(%scan3A_8 = %scan3A) -> (i32)  : i32 {
      %mul3A_9 = arith.constant 26 : i32
      %mul3A_10 = arith.muli %add3A, %mul3A_9 : i32
      %add3A_11 = arith.addi %mul3A_10, %scan3A_7 : i32
      %jit3A = arith.constant 32 : i32
      %div3A = arith.divsi %add3A_11, %jit3A : i32
      %sign3A = arith.constant 0 : i32
      %sign3A_12 = arith.cmpi sgt, %add3A_11, %sign3A : i32
      %sign3A_13 = arith.extui %sign3A_12 : i1 to i32
      %sign3A_14 = arith.constant 0 : i32
      %sign3A_15 = arith.cmpi slt, %add3A_11, %sign3A_14 : i32
      %sign3A_16 = arith.extui %sign3A_15 : i1 to i32
      %sign3A_17 = arith.subi %sign3A_13, %sign3A_16 : i32
      %sign3A_18 = arith.constant 0 : i32
      %sign3A_19 = arith.cmpi sgt, %jit3A, %sign3A_18 : i32
      %sign3A_20 = arith.extui %sign3A_19 : i1 to i32
      %sign3A_21 = arith.constant 0 : i32
      %sign3A_22 = arith.cmpi slt, %jit3A, %sign3A_21 : i32
      %sign3A_23 = arith.extui %sign3A_22 : i1 to i32
      %sign3A_24 = arith.subi %sign3A_20, %sign3A_23 : i32
      %ne3A = arith.cmpi ne, %sign3A_17, %sign3A_24 : i32
      %rem3A = arith.remsi %add3A_11, %jit3A : i32
      %ne3A_25 = arith.constant 0 : i32
      %ne3A_26 = arith.cmpi ne, %rem3A, %ne3A_25 : i32
      %and3A = arith.andi %ne3A, %ne3A_26 : i1
      %sub3A = arith.constant 1 : i32
      %sub3A_27 = arith.subi %div3A, %sub3A : i32
      %select_n3A = arith.select %and3A, %sub3A_27, %div3A : i32
      %mul3A_28 = arith.constant 32 : i32
      %mul3A_29 = arith.muli %select_n3A, %mul3A_28 : i32
      %sub3A_30 = arith.subi %add3A_11, %mul3A_29 : i32
      %ne3A_31 = arith.cmpi ne, %select_n3A, %scan3A_8 : i32
      %convert_element_type3A = arith.extui %ne3A_31 : i1 to i32
      %cond3A = arith.constant 0 : i32
      %cond3A_32 = arith.cmpi ne, %convert_element_type3A, %cond3A : i32
      scf.if %cond3A_32 {
        "tpu.region"() ({
          %run_scoped3A = tpu.sem_alloc : memref<!tpu.dma_semaphore, #tpu.memory_space<semaphore_mem>>
          %dma_start3A = arith.constant 0 : i32
          %dma_start3A_45 = tpu.memref_slice %arg2[%select_n3A, %dma_start3A] : memref<26x16384xi32, #tpu.memory_space<hbm>> -> memref<1x16384xi32, #tpu.memory_space<hbm>>
          %dma_start3A_46 = tpu.memref_squeeze %dma_start3A_45 : memref<1x16384xi32, #tpu.memory_space<hbm>> -> memref<16384xi32, #tpu.memory_space<hbm>>
          %dma_start3A_47 = arith.constant 0 : i32
          %dma_start3A_48 = tpu.memref_slice %arg2[%select_n3A, %dma_start3A_47] : memref<26x16384xi32, #tpu.memory_space<hbm>> -> memref<1x16384xi32, #tpu.memory_space<hbm>>
          %dma_start3A_49 = tpu.memref_squeeze %dma_start3A_48 : memref<1x16384xi32, #tpu.memory_space<hbm>> -> memref<16384xi32, #tpu.memory_space<hbm>>
          tpu.enqueue_dma source(%dma_start3A_49 : memref<16384xi32, #tpu.memory_space<hbm>>) target(%arg6 : memref<16384xi32, #tpu.memory_space<vmem>>) target_semaphore(%run_scoped3A : memref<!tpu.dma_semaphore, #tpu.memory_space<semaphore_mem>>)
          %dma_wait3A = arith.constant 0 : i32
          %dma_wait3A_50 = tpu.memref_slice %arg2[%select_n3A, %dma_wait3A] : memref<26x16384xi32, #tpu.memory_space<hbm>> -> memref<1x16384xi32, #tpu.memory_space<hbm>>
          %dma_wait3A_51 = tpu.memref_squeeze %dma_wait3A_50 : memref<1x16384xi32, #tpu.memory_space<hbm>> -> memref<16384xi32, #tpu.memory_space<hbm>>
          %dma_wait3A_52 = arith.constant 0 : i32
          %dma_wait3A_53 = tpu.memref_slice %arg2[%select_n3A, %dma_wait3A_52] : memref<26x16384xi32, #tpu.memory_space<hbm>> -> memref<1x16384xi32, #tpu.memory_space<hbm>>
          %dma_wait3A_54 = tpu.memref_squeeze %dma_wait3A_53 : memref<1x16384xi32, #tpu.memory_space<hbm>> -> memref<16384xi32, #tpu.memory_space<hbm>>
          tpu.wait_dma2 semaphore(%run_scoped3A : memref<!tpu.dma_semaphore, #tpu.memory_space<semaphore_mem>>) src(%dma_wait3A_54 : memref<16384xi32, #tpu.memory_space<hbm>>) dst(%arg6 : memref<16384xi32, #tpu.memory_space<vmem>>)
          tpu.yield
        }) : () -> ()
      } else {
      }
      "tpu.region"() ({
        %run_scoped3A = tpu.sem_alloc : memref<!tpu.dma_semaphore, #tpu.memory_space<semaphore_mem>>
        %dma_start3A = arith.constant 0 : i32
        %dma_start3A_45 = tpu.memref_slice %arg3[%select_n3A, %sub3A_30, %dma_start3A] : memref<26x32x100001xf32, #tpu.memory_space<hbm>> -> memref<1x1x100001xf32, #tpu.memory_space<hbm>>
        %dma_start3A_46 = tpu.memref_squeeze %dma_start3A_45 : memref<1x1x100001xf32, #tpu.memory_space<hbm>> -> memref<100001xf32, #tpu.memory_space<hbm>>
        %dma_start3A_47 = arith.constant 0 : i32
        %dma_start3A_48 = tpu.memref_slice %arg3[%select_n3A, %sub3A_30, %dma_start3A_47] : memref<26x32x100001xf32, #tpu.memory_space<hbm>> -> memref<1x1x100001xf32, #tpu.memory_space<hbm>>
        %dma_start3A_49 = tpu.memref_squeeze %dma_start3A_48 : memref<1x1x100001xf32, #tpu.memory_space<hbm>> -> memref<100001xf32, #tpu.memory_space<hbm>>
        tpu.enqueue_dma source(%dma_start3A_49 : memref<100001xf32, #tpu.memory_space<hbm>>) target(%arg5 : memref<100001xf32, #tpu.memory_space<vmem>>) target_semaphore(%run_scoped3A : memref<!tpu.dma_semaphore, #tpu.memory_space<semaphore_mem>>)
        %dma_wait3A = arith.constant 0 : i32
        %dma_wait3A_50 = tpu.memref_slice %arg3[%select_n3A, %sub3A_30, %dma_wait3A] : memref<26x32x100001xf32, #tpu.memory_space<hbm>> -> memref<1x1x100001xf32, #tpu.memory_space<hbm>>
        %dma_wait3A_51 = tpu.memref_squeeze %dma_wait3A_50 : memref<1x1x100001xf32, #tpu.memory_space<hbm>> -> memref<100001xf32, #tpu.memory_space<hbm>>
        %dma_wait3A_52 = arith.constant 0 : i32
        %dma_wait3A_53 = tpu.memref_slice %arg3[%select_n3A, %sub3A_30, %dma_wait3A_52] : memref<26x32x100001xf32, #tpu.memory_space<hbm>> -> memref<1x1x100001xf32, #tpu.memory_space<hbm>>
        %dma_wait3A_54 = tpu.memref_squeeze %dma_wait3A_53 : memref<1x1x100001xf32, #tpu.memory_space<hbm>> -> memref<100001xf32, #tpu.memory_space<hbm>>
        tpu.wait_dma2 semaphore(%run_scoped3A : memref<!tpu.dma_semaphore, #tpu.memory_space<semaphore_mem>>) src(%dma_wait3A_54 : memref<100001xf32, #tpu.memory_space<hbm>>) dst(%arg5 : memref<100001xf32, #tpu.memory_space<vmem>>)
        tpu.yield
      }) : () -> ()
      %scan3A_33 = arith.constant 0 : i32
      %scan3A_34 = arith.constant 0 : i32
      %scan3A_35 = arith.constant 64 : i32
      %scan3A_36 = arith.addi %scan3A_34, %scan3A_35 : i32
      %scan3A_37 = arith.constant 1 : i32
      scf.for %scan3A_45 = %scan3A_34 to %scan3A_36 step %scan3A_37  : i32 {
        %mul3A_46 = arith.constant 128 : i32
        %mul3A_47 = arith.muli %scan3A_45, %mul3A_46 : i32
        %add3A_48 = arith.constant 0 : i32
        %add3A_49 = arith.addi %add3A_48, %mul3A_47 : i32
        %add3A_50 = arith.constant 0 : i32
        %add3A_51 = arith.addi %add3A_49, %add3A_50 : i32
        %get3A = arith.index_cast %add3A_51 : i32 to index
        %get3A_52 = tpu.vector_load %arg6[%get3A] {strides = array<i32>} : memref<16384xi32, #tpu.memory_space<vmem>>, vector<16xi32>,
        %max3A = arith.constant 0 : i32
        %max3A_53 = vector.broadcast %max3A : i32 to vector<16xi32>
        %max3A_54 = arith.maxsi %get3A_52, %max3A_53 : vector<16xi32>
        %gather3A = tpu.vector_load_idx %arg5[%max3A_54] : memref<100001xf32, #tpu.memory_space<vmem>>[vector<16xi32>], vector<16xf32>,
        %sub3A_55 = arith.constant 0 : i32
        %sub3A_56 = arith.subi %add3A_51, %sub3A_55 : i32
        %swap3A = arith.index_cast %sub3A_56 : i32 to index
        %swap3A_57 = tpu.vector_load %arg7[%swap3A] {strides = array<i32>} : memref<8192xf32, #tpu.memory_space<vmem>>, vector<16xf32>,
        tpu.vector_store %arg7[%swap3A], %gather3A {strides = array<i32>} : memref<8192xf32, #tpu.memory_space<vmem>>, vector<16xf32>,
        %add3A_58 = arith.constant 16 : i32
        %add3A_59 = arith.addi %add3A_49, %add3A_58 : i32
        %get3A_60 = arith.index_cast %add3A_59 : i32 to index
        %get3A_61 = tpu.vector_load %arg6[%get3A_60] {strides = array<i32>} : memref<16384xi32, #tpu.memory_space<vmem>>, vector<16xi32>,
        %max3A_62 = arith.constant 0 : i32
        %max3A_63 = vector.broadcast %max3A_62 : i32 to vector<16xi32>
        %max3A_64 = arith.maxsi %get3A_61, %max3A_63 : vector<16xi32>
        %gather3A_65 = tpu.vector_load_idx %arg5[%max3A_64] : memref<100001xf32, #tpu.memory_space<vmem>>[vector<16xi32>], vector<16xf32>,
        %sub3A_66 = arith.constant 0 : i32
        %sub3A_67 = arith.subi %add3A_59, %sub3A_66 : i32
        %swap3A_68 = arith.index_cast %sub3A_67 : i32 to index
        %swap3A_69 = tpu.vector_load %arg7[%swap3A_68] {strides = array<i32>} : memref<8192xf32, #tpu.memory_space<vmem>>, vector<16xf32>,
        tpu.vector_store %arg7[%swap3A_68], %gather3A_65 {strides = array<i32>} : memref<8192xf32, #tpu.memory_space<vmem>>, vector<16xf32>,
        %add3A_70 = arith.constant 32 : i32
        %add3A_71 = arith.addi %add3A_49, %add3A_70 : i32
        %get3A_72 = arith.index_cast %add3A_71 : i32 to index
        %get3A_73 = tpu.vector_load %arg6[%get3A_72] {strides = array<i32>} : memref<16384xi32, #tpu.memory_space<vmem>>, vector<16xi32>,
        %max3A_74 = arith.constant 0 : i32
        %max3A_75 = vector.broadcast %max3A_74 : i32 to vector<16xi32>
        %max3A_76 = arith.maxsi %get3A_73, %max3A_75 : vector<16xi32>
        %gather3A_77 = tpu.vector_load_idx %arg5[%max3A_76] : memref<100001xf32, #tpu.memory_space<vmem>>[vector<16xi32>], vector<16xf32>,
        %sub3A_78 = arith.constant 0 : i32
        %sub3A_79 = arith.subi %add3A_71, %sub3A_78 : i32
        %swap3A_80 = arith.index_cast %sub3A_79 : i32 to index
        %swap3A_81 = tpu.vector_load %arg7[%swap3A_80] {strides = array<i32>} : memref<8192xf32, #tpu.memory_space<vmem>>, vector<16xf32>,
        tpu.vector_store %arg7[%swap3A_80], %gather3A_77 {strides = array<i32>} : memref<8192xf32, #tpu.memory_space<vmem>>, vector<16xf32>,
        %add3A_82 = arith.constant 48 : i32
        %add3A_83 = arith.addi %add3A_49, %add3A_82 : i32
        %get3A_84 = arith.index_cast %add3A_83 : i32 to index
        %get3A_85 = tpu.vector_load %arg6[%get3A_84] {strides = array<i32>} : memref<16384xi32, #tpu.memory_space<vmem>>, vector<16xi32>,
        %max3A_86 = arith.constant 0 : i32
        %max3A_87 = vector.broadcast %max3A_86 : i32 to vector<16xi32>
        %max3A_88 = arith.maxsi %get3A_85, %max3A_87 : vector<16xi32>
        %gather3A_89 = tpu.vector_load_idx %arg5[%max3A_88] : memref<100001xf32, #tpu.memory_space<vmem>>[vector<16xi32>], vector<16xf32>,
        %sub3A_90 = arith.constant 0 : i32
        %sub3A_91 = arith.subi %add3A_83, %sub3A_90 : i32
        %swap3A_92 = arith.index_cast %sub3A_91 : i32 to index
        %swap3A_93 = tpu.vector_load %arg7[%swap3A_92] {strides = array<i32>} : memref<8192xf32, #tpu.memory_space<vmem>>, vector<16xf32>,
        tpu.vector_store %arg7[%swap3A_92], %gather3A_89 {strides = array<i32>} : memref<8192xf32, #tpu.memory_space<vmem>>, vector<16xf32>,
        %add3A_94 = arith.constant 64 : i32
        %add3A_95 = arith.addi %add3A_49, %add3A_94 : i32
        %get3A_96 = arith.index_cast %add3A_95 : i32 to index
        %get3A_97 = tpu.vector_load %arg6[%get3A_96] {strides = array<i32>} : memref<16384xi32, #tpu.memory_space<vmem>>, vector<16xi32>,
        %max3A_98 = arith.constant 0 : i32
        %max3A_99 = vector.broadcast %max3A_98 : i32 to vector<16xi32>
        %max3A_100 = arith.maxsi %get3A_97, %max3A_99 : vector<16xi32>
        %gather3A_101 = tpu.vector_load_idx %arg5[%max3A_100] : memref<100001xf32, #tpu.memory_space<vmem>>[vector<16xi32>], vector<16xf32>,
        %sub3A_102 = arith.constant 0 : i32
        %sub3A_103 = arith.subi %add3A_95, %sub3A_102 : i32
        %swap3A_104 = arith.index_cast %sub3A_103 : i32 to index
        %swap3A_105 = tpu.vector_load %arg7[%swap3A_104] {strides = array<i32>} : memref<8192xf32, #tpu.memory_space<vmem>>, vector<16xf32>,
        tpu.vector_store %arg7[%swap3A_104], %gather3A_101 {strides = array<i32>} : memref<8192xf32, #tpu.memory_space<vmem>>, vector<16xf32>,
        %add3A_106 = arith.constant 80 : i32
        %add3A_107 = arith.addi %add3A_49, %add3A_106 : i32
        %get3A_108 = arith.index_cast %add3A_107 : i32 to index
        %get3A_109 = tpu.vector_load %arg6[%get3A_108] {strides = array<i32>} : memref<16384xi32, #tpu.memory_space<vmem>>, vector<16xi32>,
        %max3A_110 = arith.constant 0 : i32
        %max3A_111 = vector.broadcast %max3A_110 : i32 to vector<16xi32>
        %max3A_112 = arith.maxsi %get3A_109, %max3A_111 : vector<16xi32>
        %gather3A_113 = tpu.vector_load_idx %arg5[%max3A_112] : memref<100001xf32, #tpu.memory_space<vmem>>[vector<16xi32>], vector<16xf32>,
        %sub3A_114 = arith.constant 0 : i32
        %sub3A_115 = arith.subi %add3A_107, %sub3A_114 : i32
        %swap3A_116 = arith.index_cast %sub3A_115 : i32 to index
        %swap3A_117 = tpu.vector_load %arg7[%swap3A_116] {strides = array<i32>} : memref<8192xf32, #tpu.memory_space<vmem>>, vector<16xf32>,
        tpu.vector_store %arg7[%swap3A_116], %gather3A_113 {strides = array<i32>} : memref<8192xf32, #tpu.memory_space<vmem>>, vector<16xf32>,
        %add3A_118 = arith.constant 96 : i32
        %add3A_119 = arith.addi %add3A_49, %add3A_118 : i32
        %get3A_120 = arith.index_cast %add3A_119 : i32 to index
        %get3A_121 = tpu.vector_load %arg6[%get3A_120] {strides = array<i32>} : memref<16384xi32, #tpu.memory_space<vmem>>, vector<16xi32>,
        %max3A_122 = arith.constant 0 : i32
        %max3A_123 = vector.broadcast %max3A_122 : i32 to vector<16xi32>
        %max3A_124 = arith.maxsi %get3A_121, %max3A_123 : vector<16xi32>
        %gather3A_125 = tpu.vector_load_idx %arg5[%max3A_124] : memref<100001xf32, #tpu.memory_space<vmem>>[vector<16xi32>], vector<16xf32>,
        %sub3A_126 = arith.constant 0 : i32
        %sub3A_127 = arith.subi %add3A_119, %sub3A_126 : i32
        %swap3A_128 = arith.index_cast %sub3A_127 : i32 to index
        %swap3A_129 = tpu.vector_load %arg7[%swap3A_128] {strides = array<i32>} : memref<8192xf32, #tpu.memory_space<vmem>>, vector<16xf32>,
        tpu.vector_store %arg7[%swap3A_128], %gather3A_125 {strides = array<i32>} : memref<8192xf32, #tpu.memory_space<vmem>>, vector<16xf32>,
        %add3A_130 = arith.constant 112 : i32
        %add3A_131 = arith.addi %add3A_49, %add3A_130 : i32
        %get3A_132 = arith.index_cast %add3A_131 : i32 to index
        %get3A_133 = tpu.vector_load %arg6[%get3A_132] {strides = array<i32>} : memref<16384xi32, #tpu.memory_space<vmem>>, vector<16xi32>,
        %max3A_134 = arith.constant 0 : i32
        %max3A_135 = vector.broadcast %max3A_134 : i32 to vector<16xi32>
        %max3A_136 = arith.maxsi %get3A_133, %max3A_135 : vector<16xi32>
        %gather3A_137 = tpu.vector_load_idx %arg5[%max3A_136] : memref<100001xf32, #tpu.memory_space<vmem>>[vector<16xi32>], vector<16xf32>,
        %sub3A_138 = arith.constant 0 : i32
        %sub3A_139 = arith.subi %add3A_131, %sub3A_138 : i32
        %swap3A_140 = arith.index_cast %sub3A_139 : i32 to index
        %swap3A_141 = tpu.vector_load %arg7[%swap3A_140] {strides = array<i32>} : memref<8192xf32, #tpu.memory_space<vmem>>, vector<16xf32>,
        tpu.vector_store %arg7[%swap3A_140], %gather3A_137 {strides = array<i32>} : memref<8192xf32, #tpu.memory_space<vmem>>, vector<16xf32>,
      }
      %scan3A_38 = arith.constant 64 : i32
      "tpu.region"() ({
        %run_scoped3A = tpu.sem_alloc : memref<!tpu.dma_semaphore, #tpu.memory_space<semaphore_mem>>
        %dma_start3A = arith.constant 0 : i32
        %dma_start3A_45 = tpu.memref_slice %arg4[%select_n3A, %sub3A_30, %dma_start3A] : memref<26x32x16384xf32, #tpu.memory_space<hbm>> -> memref<1x1x8192xf32, #tpu.memory_space<hbm>>
        %dma_start3A_46 = tpu.memref_squeeze %dma_start3A_45 : memref<1x1x8192xf32, #tpu.memory_space<hbm>> -> memref<8192xf32, #tpu.memory_space<hbm>>
        %dma_start3A_47 = arith.constant 0 : i32
        %dma_start3A_48 = tpu.memref_slice %arg4[%select_n3A, %sub3A_30, %dma_start3A_47] : memref<26x32x16384xf32, #tpu.memory_space<hbm>> -> memref<1x1x8192xf32, #tpu.memory_space<hbm>>
        %dma_start3A_49 = tpu.memref_squeeze %dma_start3A_48 : memref<1x1x8192xf32, #tpu.memory_space<hbm>> -> memref<8192xf32, #tpu.memory_space<hbm>>
        tpu.enqueue_dma source(%arg7 : memref<8192xf32, #tpu.memory_space<vmem>>) target(%dma_start3A_49 : memref<8192xf32, #tpu.memory_space<hbm>>) target_semaphore(%run_scoped3A : memref<!tpu.dma_semaphore, #tpu.memory_space<semaphore_mem>>)
        %dma_wait3A = arith.constant 0 : i32
        %dma_wait3A_50 = tpu.memref_slice %arg4[%select_n3A, %sub3A_30, %dma_wait3A] : memref<26x32x16384xf32, #tpu.memory_space<hbm>> -> memref<1x1x8192xf32, #tpu.memory_space<hbm>>
        %dma_wait3A_51 = tpu.memref_squeeze %dma_wait3A_50 : memref<1x1x8192xf32, #tpu.memory_space<hbm>> -> memref<8192xf32, #tpu.memory_space<hbm>>
        %dma_wait3A_52 = arith.constant 0 : i32
        %dma_wait3A_53 = tpu.memref_slice %arg4[%select_n3A, %sub3A_30, %dma_wait3A_52] : memref<26x32x16384xf32, #tpu.memory_space<hbm>> -> memref<1x1x8192xf32, #tpu.memory_space<hbm>>
        %dma_wait3A_54 = tpu.memref_squeeze %dma_wait3A_53 : memref<1x1x8192xf32, #tpu.memory_space<hbm>> -> memref<8192xf32, #tpu.memory_space<hbm>>
        tpu.wait_dma2 semaphore(%run_scoped3A : memref<!tpu.dma_semaphore, #tpu.memory_space<semaphore_mem>>) src(%arg7 : memref<8192xf32, #tpu.memory_space<vmem>>) dst(%dma_wait3A_54 : memref<8192xf32, #tpu.memory_space<hbm>>)
        tpu.yield
      }) : () -> ()
      %scan3A_39 = arith.constant 0 : i32
      %scan3A_40 = arith.constant 0 : i32
      %scan3A_41 = arith.constant 64 : i32
      %scan3A_42 = arith.addi %scan3A_40, %scan3A_41 : i32
      %scan3A_43 = arith.constant 1 : i32
      scf.for %scan3A_45 = %scan3A_40 to %scan3A_42 step %scan3A_43  : i32 {
        %mul3A_46 = arith.constant 128 : i32
        %mul3A_47 = arith.muli %scan3A_45, %mul3A_46 : i32
        %add3A_48 = arith.constant 8192 : i32
        %add3A_49 = arith.addi %add3A_48, %mul3A_47 : i32
        %add3A_50 = arith.constant 0 : i32
        %add3A_51 = arith.addi %add3A_49, %add3A_50 : i32
        %get3A = arith.index_cast %add3A_51 : i32 to index
        %get3A_52 = tpu.vector_load %arg6[%get3A] {strides = array<i32>} : memref<16384xi32, #tpu.memory_space<vmem>>, vector<16xi32>,
        %max3A = arith.constant 0 : i32
        %max3A_53 = vector.broadcast %max3A : i32 to vector<16xi32>
        %max3A_54 = arith.maxsi %get3A_52, %max3A_53 : vector<16xi32>
        %gather3A = tpu.vector_load_idx %arg5[%max3A_54] : memref<100001xf32, #tpu.memory_space<vmem>>[vector<16xi32>], vector<16xf32>,
        %sub3A_55 = arith.constant 8192 : i32
        %sub3A_56 = arith.subi %add3A_51, %sub3A_55 : i32
        %swap3A = arith.index_cast %sub3A_56 : i32 to index
        %swap3A_57 = tpu.vector_load %arg7[%swap3A] {strides = array<i32>} : memref<8192xf32, #tpu.memory_space<vmem>>, vector<16xf32>,
        tpu.vector_store %arg7[%swap3A], %gather3A {strides = array<i32>} : memref<8192xf32, #tpu.memory_space<vmem>>, vector<16xf32>,
        %add3A_58 = arith.constant 16 : i32
        %add3A_59 = arith.addi %add3A_49, %add3A_58 : i32
        %get3A_60 = arith.index_cast %add3A_59 : i32 to index
        %get3A_61 = tpu.vector_load %arg6[%get3A_60] {strides = array<i32>} : memref<16384xi32, #tpu.memory_space<vmem>>, vector<16xi32>,
        %max3A_62 = arith.constant 0 : i32
        %max3A_63 = vector.broadcast %max3A_62 : i32 to vector<16xi32>
        %max3A_64 = arith.maxsi %get3A_61, %max3A_63 : vector<16xi32>
        %gather3A_65 = tpu.vector_load_idx %arg5[%max3A_64] : memref<100001xf32, #tpu.memory_space<vmem>>[vector<16xi32>], vector<16xf32>,
        %sub3A_66 = arith.constant 8192 : i32
        %sub3A_67 = arith.subi %add3A_59, %sub3A_66 : i32
        %swap3A_68 = arith.index_cast %sub3A_67 : i32 to index
        %swap3A_69 = tpu.vector_load %arg7[%swap3A_68] {strides = array<i32>} : memref<8192xf32, #tpu.memory_space<vmem>>, vector<16xf32>,
        tpu.vector_store %arg7[%swap3A_68], %gather3A_65 {strides = array<i32>} : memref<8192xf32, #tpu.memory_space<vmem>>, vector<16xf32>,
        %add3A_70 = arith.constant 32 : i32
        %add3A_71 = arith.addi %add3A_49, %add3A_70 : i32
        %get3A_72 = arith.index_cast %add3A_71 : i32 to index
        %get3A_73 = tpu.vector_load %arg6[%get3A_72] {strides = array<i32>} : memref<16384xi32, #tpu.memory_space<vmem>>, vector<16xi32>,
        %max3A_74 = arith.constant 0 : i32
        %max3A_75 = vector.broadcast %max3A_74 : i32 to vector<16xi32>
        %max3A_76 = arith.maxsi %get3A_73, %max3A_75 : vector<16xi32>
        %gather3A_77 = tpu.vector_load_idx %arg5[%max3A_76] : memref<100001xf32, #tpu.memory_space<vmem>>[vector<16xi32>], vector<16xf32>,
        %sub3A_78 = arith.constant 8192 : i32
        %sub3A_79 = arith.subi %add3A_71, %sub3A_78 : i32
        %swap3A_80 = arith.index_cast %sub3A_79 : i32 to index
        %swap3A_81 = tpu.vector_load %arg7[%swap3A_80] {strides = array<i32>} : memref<8192xf32, #tpu.memory_space<vmem>>, vector<16xf32>,
        tpu.vector_store %arg7[%swap3A_80], %gather3A_77 {strides = array<i32>} : memref<8192xf32, #tpu.memory_space<vmem>>, vector<16xf32>,
        %add3A_82 = arith.constant 48 : i32
        %add3A_83 = arith.addi %add3A_49, %add3A_82 : i32
        %get3A_84 = arith.index_cast %add3A_83 : i32 to index
        %get3A_85 = tpu.vector_load %arg6[%get3A_84] {strides = array<i32>} : memref<16384xi32, #tpu.memory_space<vmem>>, vector<16xi32>,
        %max3A_86 = arith.constant 0 : i32
        %max3A_87 = vector.broadcast %max3A_86 : i32 to vector<16xi32>
        %max3A_88 = arith.maxsi %get3A_85, %max3A_87 : vector<16xi32>
        %gather3A_89 = tpu.vector_load_idx %arg5[%max3A_88] : memref<100001xf32, #tpu.memory_space<vmem>>[vector<16xi32>], vector<16xf32>,
        %sub3A_90 = arith.constant 8192 : i32
        %sub3A_91 = arith.subi %add3A_83, %sub3A_90 : i32
        %swap3A_92 = arith.index_cast %sub3A_91 : i32 to index
        %swap3A_93 = tpu.vector_load %arg7[%swap3A_92] {strides = array<i32>} : memref<8192xf32, #tpu.memory_space<vmem>>, vector<16xf32>,
        tpu.vector_store %arg7[%swap3A_92], %gather3A_89 {strides = array<i32>} : memref<8192xf32, #tpu.memory_space<vmem>>, vector<16xf32>,
        %add3A_94 = arith.constant 64 : i32
        %add3A_95 = arith.addi %add3A_49, %add3A_94 : i32
        %get3A_96 = arith.index_cast %add3A_95 : i32 to index
        %get3A_97 = tpu.vector_load %arg6[%get3A_96] {strides = array<i32>} : memref<16384xi32, #tpu.memory_space<vmem>>, vector<16xi32>,
        %max3A_98 = arith.constant 0 : i32
        %max3A_99 = vector.broadcast %max3A_98 : i32 to vector<16xi32>
        %max3A_100 = arith.maxsi %get3A_97, %max3A_99 : vector<16xi32>
        %gather3A_101 = tpu.vector_load_idx %arg5[%max3A_100] : memref<100001xf32, #tpu.memory_space<vmem>>[vector<16xi32>], vector<16xf32>,
        %sub3A_102 = arith.constant 8192 : i32
        %sub3A_103 = arith.subi %add3A_95, %sub3A_102 : i32
        %swap3A_104 = arith.index_cast %sub3A_103 : i32 to index
        %swap3A_105 = tpu.vector_load %arg7[%swap3A_104] {strides = array<i32>} : memref<8192xf32, #tpu.memory_space<vmem>>, vector<16xf32>,
        tpu.vector_store %arg7[%swap3A_104], %gather3A_101 {strides = array<i32>} : memref<8192xf32, #tpu.memory_space<vmem>>, vector<16xf32>,
        %add3A_106 = arith.constant 80 : i32
        %add3A_107 = arith.addi %add3A_49, %add3A_106 : i32
        %get3A_108 = arith.index_cast %add3A_107 : i32 to index
        %get3A_109 = tpu.vector_load %arg6[%get3A_108] {strides = array<i32>} : memref<16384xi32, #tpu.memory_space<vmem>>, vector<16xi32>,
        %max3A_110 = arith.constant 0 : i32
        %max3A_111 = vector.broadcast %max3A_110 : i32 to vector<16xi32>
        %max3A_112 = arith.maxsi %get3A_109, %max3A_111 : vector<16xi32>
        %gather3A_113 = tpu.vector_load_idx %arg5[%max3A_112] : memref<100001xf32, #tpu.memory_space<vmem>>[vector<16xi32>], vector<16xf32>,
        %sub3A_114 = arith.constant 8192 : i32
        %sub3A_115 = arith.subi %add3A_107, %sub3A_114 : i32
        %swap3A_116 = arith.index_cast %sub3A_115 : i32 to index
        %swap3A_117 = tpu.vector_load %arg7[%swap3A_116] {strides = array<i32>} : memref<8192xf32, #tpu.memory_space<vmem>>, vector<16xf32>,
        tpu.vector_store %arg7[%swap3A_116], %gather3A_113 {strides = array<i32>} : memref<8192xf32, #tpu.memory_space<vmem>>, vector<16xf32>,
        %add3A_118 = arith.constant 96 : i32
        %add3A_119 = arith.addi %add3A_49, %add3A_118 : i32
        %get3A_120 = arith.index_cast %add3A_119 : i32 to index
        %get3A_121 = tpu.vector_load %arg6[%get3A_120] {strides = array<i32>} : memref<16384xi32, #tpu.memory_space<vmem>>, vector<16xi32>,
        %max3A_122 = arith.constant 0 : i32
        %max3A_123 = vector.broadcast %max3A_122 : i32 to vector<16xi32>
        %max3A_124 = arith.maxsi %get3A_121, %max3A_123 : vector<16xi32>
        %gather3A_125 = tpu.vector_load_idx %arg5[%max3A_124] : memref<100001xf32, #tpu.memory_space<vmem>>[vector<16xi32>], vector<16xf32>,
        %sub3A_126 = arith.constant 8192 : i32
        %sub3A_127 = arith.subi %add3A_119, %sub3A_126 : i32
        %swap3A_128 = arith.index_cast %sub3A_127 : i32 to index
        %swap3A_129 = tpu.vector_load %arg7[%swap3A_128] {strides = array<i32>} : memref<8192xf32, #tpu.memory_space<vmem>>, vector<16xf32>,
        tpu.vector_store %arg7[%swap3A_128], %gather3A_125 {strides = array<i32>} : memref<8192xf32, #tpu.memory_space<vmem>>, vector<16xf32>,
        %add3A_130 = arith.constant 112 : i32
        %add3A_131 = arith.addi %add3A_49, %add3A_130 : i32
        %get3A_132 = arith.index_cast %add3A_131 : i32 to index
        %get3A_133 = tpu.vector_load %arg6[%get3A_132] {strides = array<i32>} : memref<16384xi32, #tpu.memory_space<vmem>>, vector<16xi32>,
        %max3A_134 = arith.constant 0 : i32
        %max3A_135 = vector.broadcast %max3A_134 : i32 to vector<16xi32>
        %max3A_136 = arith.maxsi %get3A_133, %max3A_135 : vector<16xi32>
        %gather3A_137 = tpu.vector_load_idx %arg5[%max3A_136] : memref<100001xf32, #tpu.memory_space<vmem>>[vector<16xi32>], vector<16xf32>,
        %sub3A_138 = arith.constant 8192 : i32
        %sub3A_139 = arith.subi %add3A_131, %sub3A_138 : i32
        %swap3A_140 = arith.index_cast %sub3A_139 : i32 to index
        %swap3A_141 = tpu.vector_load %arg7[%swap3A_140] {strides = array<i32>} : memref<8192xf32, #tpu.memory_space<vmem>>, vector<16xf32>,
        tpu.vector_store %arg7[%swap3A_140], %gather3A_137 {strides = array<i32>} : memref<8192xf32, #tpu.memory_space<vmem>>, vector<16xf32>,
      }
      %scan3A_44 = arith.constant 64 : i32
      "tpu.region"() ({
        %run_scoped3A = tpu.sem_alloc : memref<!tpu.dma_semaphore, #tpu.memory_space<semaphore_mem>>
        %dma_start3A = arith.constant 8192 : i32
        %dma_start3A_45 = tpu.memref_slice %arg4[%select_n3A, %sub3A_30, %dma_start3A] : memref<26x32x16384xf32, #tpu.memory_space<hbm>> -> memref<1x1x8192xf32, #tpu.memory_space<hbm>>
        %dma_start3A_46 = tpu.memref_squeeze %dma_start3A_45 : memref<1x1x8192xf32, #tpu.memory_space<hbm>> -> memref<8192xf32, #tpu.memory_space<hbm>>
        %dma_start3A_47 = arith.constant 8192 : i32
        %dma_start3A_48 = tpu.memref_slice %arg4[%select_n3A, %sub3A_30, %dma_start3A_47] : memref<26x32x16384xf32, #tpu.memory_space<hbm>> -> memref<1x1x8192xf32, #tpu.memory_space<hbm>>
        %dma_start3A_49 = tpu.memref_squeeze %dma_start3A_48 : memref<1x1x8192xf32, #tpu.memory_space<hbm>> -> memref<8192xf32, #tpu.memory_space<hbm>>
        tpu.enqueue_dma source(%arg7 : memref<8192xf32, #tpu.memory_space<vmem>>) target(%dma_start3A_49 : memref<8192xf32, #tpu.memory_space<hbm>>) target_semaphore(%run_scoped3A : memref<!tpu.dma_semaphore, #tpu.memory_space<semaphore_mem>>)
        %dma_wait3A = arith.constant 8192 : i32
        %dma_wait3A_50 = tpu.memref_slice %arg4[%select_n3A, %sub3A_30, %dma_wait3A] : memref<26x32x16384xf32, #tpu.memory_space<hbm>> -> memref<1x1x8192xf32, #tpu.memory_space<hbm>>
        %dma_wait3A_51 = tpu.memref_squeeze %dma_wait3A_50 : memref<1x1x8192xf32, #tpu.memory_space<hbm>> -> memref<8192xf32, #tpu.memory_space<hbm>>
        %dma_wait3A_52 = arith.constant 8192 : i32
        %dma_wait3A_53 = tpu.memref_slice %arg4[%select_n3A, %sub3A_30, %dma_wait3A_52] : memref<26x32x16384xf32, #tpu.memory_space<hbm>> -> memref<1x1x8192xf32, #tpu.memory_space<hbm>>
        %dma_wait3A_54 = tpu.memref_squeeze %dma_wait3A_53 : memref<1x1x8192xf32, #tpu.memory_space<hbm>> -> memref<8192xf32, #tpu.memory_space<hbm>>
        tpu.wait_dma2 semaphore(%run_scoped3A : memref<!tpu.dma_semaphore, #tpu.memory_space<semaphore_mem>>) src(%arg7 : memref<8192xf32, #tpu.memory_space<vmem>>) dst(%dma_wait3A_54 : memref<8192xf32, #tpu.memory_space<hbm>>)
        tpu.yield
      }) : () -> ()
      scf.yield %select_n3A : i32
    }
    %scan3A_6 = arith.constant 26 : i32
    return
  }
}

</mosaic_0001>

<sc_bundles>
// kernel: kernel.3.cloned.1.call-start
scs
__scs_entry_jumppad:
0x0: {  	(pc) =	sbr.rel $0x88, $3  }
0x1: {  	(tag) =	ssettag $0x0;
	lr =	simm.s32 $0x1  }
0x2: {  	[smem:$0x3F9F] =	sst lr;
	_ =	strace $0xD0000000  }
0x3: {  	_ = 	snop  }
0x4: {  	_ = 	snop  }
0x5: {  	_ = 	snop  }
0x6: {  	_ = 	snop  }
0x7: {  	_ = 	snop  }
__scs_overlays_trampoline_lowered:
0x8: {  	[smem:$0x3FAE] =	sst s0  }
0x9: {  	[smem:$0x3FAF] =	sst s1  }
0xa: {  	[smem:$0x3FB0] =	sst s2  }
0xb: {  	[smem:$0x3FB1] =	sst s3  }
0xc: {  	[smem:$0x3FB2] =	sst s4  }
0xd: {  	[smem:$0x3FB3] =	sst s5  }
0xe: {  	[smem:$0x3FB4] =	sst s6  }
0xf: {  	[smem:$0x3FB5] =	sst s7  }
0x10: {  	[smem:$0x3FB6] =	sst s8  }
0x11: {  	[smem:$0x3FB7] =	sst s9;
	s0 =	simm.s32 @!p0 $0x0  }
0x12: {  	s1 =	sld [smem:$0x3F9D];
	s0 =	simm.s32 @p0 $0x1  }
0x13: {  	[smem:$0x3FB8] =	sst s0;
	s0 =	simm.s32 @!p1 $0x0  }
0x14: {  	s2 =	sld [smem:$0x3F9C];
	s0 =	simm.s32 @p1 $0x1  }
0x15: {  	[smem:$0x3FB9] =	sst s0;
	s0 =	simm.s32 @!p2 $0x0  }
0x16: {  	s3 =	sld [smem:$0x3FDB];
	s0 =	simm.s32 @p2 $0x1  }
0x17: {  	s4 =	simm.s32 $0x1BF5;
	[smem:$0x3FBB] =	sst s0  }
0x18: {  	s0 =	sld [smem:$0x3F9E];
	_ =	swait.ge [sflag:s4], $0x0  }
0x19: {  	s7 =	sld [smem:$0x3F9F]  }
0x1a: {  	s8 =	sadd.s32 $0xFFFFE003, lr  }
0x1b: {  	s9 =	sadd.s32 $0xFFFFFEF7, lr;
	s5 =	simm.s32 $0xFFFFFFFF;
	p2 =	slt.u32 s8, $0xFFFFF086  }
0x1c: {  	p1 =	slt.u32 s9, $0xF7A;
	s5 =	simm.s32 @!p2 $0x0  }
0x1d: {  	s5 =	simm.s32 @p1 $0x1;
	p0 =	seq.s32 s7, s2  }
0x1e: {  	s7 =	smul.u32 @!p0 $0xF7A, s2;
	p2 =	seq.s32 @!p0 s5, $0x0  }
0x1f: {  	s9 =	smul.u32 $0xF7A, s1;
	s8 =	simm.s32 @!p0 $0x1BF5;
	p2 =	por !p2, p0  }
0x20: {  	[sflag:s8] =	ssyncset.s32 @!p0 $0xFFFFF086;
	s6 =	sadd.s32 @!p0 s3, s7;
	s7 =	simm.s32 @!p0 $0x108  }
0x21: {  	s3 =	sadd.s32 s3, s9;
	s6 =	sadd.s32 @!p0 $0x88, s6;
	s7 =	simm.s32 @p2 $0x1082  }
0x22: {  	[simem:s7], [sflag:s8] =	dma.local @!p0 [hbm:s6], $0xF7A  }
0x23: {  	s9 =	sor.u32 $0xD0000000, s2;
	s6 =	simm.s32 $0x108;
	_ =	swait.ge @!p0 [sflag:s8], $0x0  }
0x24: {  	s3 =	sadd.s32 $0x88, s3;
	s6 =	simm.s32 @!p1 $0x1082;
	[sflag:s4] =	ssyncset.s32 $0xFFFFF086  }
0x25: {  	[simem:s6], [sflag:s4] =	dma.local [hbm:s3], $0xF7A  }
0x26: {  	[smem:$0x3F9F] =	sst s1;
	(tag) =	ssettag s2;
	_ =	strace s9  }
0x27: {  	s1 =	sld [smem:$0x3FAF]  }
0x28: {  	s2 =	sld [smem:$0x3FB0]  }
0x29: {  	s4 =	sld [smem:$0x3FB2]  }
0x2a: {  	p0 =	seq.s32 s5, $0x0;
	s5 =	sld [smem:$0x3FB3]  }
0x2b: {  	s6 =	sld [smem:$0x3FB4]  }
0x2c: {  	s7 =	sld [smem:$0x3FB5]  }
0x2d: {  	s3 =	simm.s32 $0x108;
	s8 =	sld [smem:$0x3FB6]  }
0x2e: {  	s3 =	simm.s32 @!p0 $0x1082;
	s9 =	sld [smem:$0x3FB7]  }
0x2f: {  	lr =	sadd.s32 s0, s3;
	s0 =	sld [smem:$0x3FAE]  }
0x30: {  	s3 =	sld [smem:$0x3FB1]  }
0x31: {  	[smem:$0x3FBA] =	sst s10  }
0x32: {  	s10 =	sld [smem:$0x3FB8];
	_ =	sdelay $0x3  }
0x33: {  	p0 =	seq.s32 s10, $0x1;
	s10 =	sld [smem:$0x3FBA];
	_ =	sdelay $0x3  }
0x34: {  	[smem:$0x3FBA] =	sst s10  }
0x35: {  	s10 =	sld [smem:$0x3FB9];
	_ =	sdelay $0x3  }
0x36: {  	p1 =	seq.s32 s10, $0x1;
	s10 =	sld [smem:$0x3FBA];
	_ =	sdelay $0x3  }
0x37: {  	[smem:$0x3FBA] =	sst s10  }
0x38: {  	s10 =	sld [smem:$0x3FBB]  }
0x39: {  	_ = 	snop;
	(pc) =	sbr.ind lr, $3  }
0x3a: {  	_ = 	snop  }
0x3b: {  	_ = 	snop  }
0x3c: {  	p2 =	seq.s32 s10, $0x1;
	s10 =	sld [smem:$0x3FBA]  }
0x3d: {  	_ =	shalt  }
0x3e: {  	_ =	shalt  }
0x3f: {  	_ =	shalt  }
0x40: {  	_ =	shalt  }
0x41: {  	_ =	shalt  }
0x42: {  	_ =	shalt  }
0x43: {  	_ =	shalt  }
0x44: {  	_ =	shalt  }
0x45: {  	_ =	shalt  }
0x46: {  	_ =	shalt  }
0x47: {  	_ =	shalt  }
0x48: {  	_ =	shalt  }
0x49: {  	_ =	shalt  }
0x4a: {  	_ =	shalt  }
0x4b: {  	_ =	shalt  }
0x4c: {  	_ =	shalt  }
0x4d: {  	_ =	shalt  }
0x4e: {  	_ =	shalt  }
0x4f: {  	_ =	shalt  }
0x50: {  	_ =	shalt  }
0x51: {  	_ =	shalt  }
0x52: {  	_ =	shalt  }
0x53: {  	_ =	shalt  }
0x54: {  	_ =	shalt  }
0x55: {  	_ =	shalt  }
0x56: {  	_ =	shalt  }
0x57: {  	_ =	shalt  }
0x58: {  	_ =	shalt  }
0x59: {  	_ =	shalt  }
0x5a: {  	_ =	shalt  }
0x5b: {  	_ =	shalt  }
0x5c: {  	_ =	shalt  }
0x5d: {  	_ =	shalt  }
0x5e: {  	_ =	shalt  }
0x5f: {  	_ =	shalt  }
0x60: {  	_ =	shalt  }
0x61: {  	_ =	shalt  }
0x62: {  	_ =	shalt  }
0x63: {  	_ =	shalt  }
0x64: {  	_ =	shalt  }
0x65: {  	_ =	shalt  }
0x66: {  	_ =	shalt  }
0x67: {  	_ =	shalt  }
0x68: {  	_ =	shalt  }
0x69: {  	_ =	shalt  }
0x6a: {  	_ =	shalt  }
0x6b: {  	_ =	shalt  }
0x6c: {  	_ =	shalt  }
0x6d: {  	_ =	shalt  }
0x6e: {  	_ =	shalt  }
0x6f: {  	_ =	shalt  }
0x70: {  	_ =	shalt  }
0x71: {  	_ =	shalt  }
0x72: {  	_ =	shalt  }
0x73: {  	_ =	shalt  }
0x74: {  	_ =	shalt  }
0x75: {  	_ =	shalt  }
0x76: {  	_ =	shalt  }
0x77: {  	_ =	shalt  }
0x78: {  	_ =	shalt  }
0x79: {  	_ =	shalt  }
0x7a: {  	_ =	shalt  }
0x7b: {  	_ =	shalt  }
0x7c: {  	_ =	shalt  }
0x7d: {  	_ =	shalt  }
0x7e: {  	_ =	shalt  }
0x7f: {  	_ =	shalt  }
0x80: {  	_ =	shalt  }
0x81: {  	_ =	shalt  }
0x82: {  	_ =	shalt  }
0x83: {  	_ =	shalt  }
0x84: {  	_ =	shalt  }
0x85: {  	_ =	shalt  }
0x86: {  	_ =	shalt  }
0x87: {  	_ =	shalt  }
.Lfunc_end0:
.L_simem_size_0:
called_computation_lowered:
.L_overlay_start_0:
0x88: {  	s2 =	sld [smem:$0x3FD9]  }
0x89: {  	s3 =	sld [smem:$0x3FFE];
	_ =	sdelay $0x1  }
0x8a: {  	s1 =	srdreg.scid  }
0x8b: {  	s0 =	sand.u32 $0x1, s1  }
0x8c: {  	s18 =	sshll.u32 s0, $0xA;
	s2 =	sadd.s32 s3, s2  }
0x8d: {  	s2 =	sadd.s32 s2, s18  }
0x8e: {  	[smem:$0x3FC6] =	sst s2  }
0x8f: {  	_ = 	snop  }
0x90: {  	s2 =	sld [smem:$0x3FC9]  }
0x91: {  	s19 =	sld [smem:$0x3FC8]  }
0x92: {  	s4 =	sld [smem:$0x3FD0];
	(tm) =	ssettm $0x1  }
0x93: {  	s5 =	sld [smem:$0x3FFB];
	_ =	sdelay $0x3  }
0x94: {  	_ =	strace s5  }
0x95: {  	s5 =	sld [smem:$0x3FFC];
	_ =	sdelay $0x3  }
0x96: {  	_ =	strace s5  }
0x97: {  	s5 =	sld [smem:$0x3FFD];
	_ =	sdelay $0x3  }
0x98: {  	_ =	strace s5  }
0x99: {  	_ =	strace $0x8FFFFFFF  }
0x9a: {  	s20 =	sld [smem:$0x3FDB];
	_ =	sdelay $0x1  }
0x9b: {  	s6 =	simm.s32 $_scs_section_size  }
0x9c: {  	s7 =	simm.s32 $_size__tile_overlayer_lowered;
	s8 =	simm.s32 $_tile_overlayer_lowered  }
0x9d: {  	s23 =	simm.s32 $0x1BFF;
	s22 =	sshll.u32 s8, $0x1;
	s5 =	sadd.s32 s6, s20  }
0x9e: {  	s9 =	simm.s32 $0x0;
	s21 =	sshll.u32 s7, $0x1;
	s7 =	sadd.s32 s22, s5  }
0x9f: {  	[timem:s9], [sflag:s23] =	dma.local [hbm:s7], s21  }
0xa0: {  	_ =	swait.ge [sflag:s23], s21  }
0xa1: {  	s6 =	ssub.s32 $0x0, s21;
	[sflag:s23] =	ssyncset.done $0x0  }
0xa2: {  	[sflag:s23] =	ssyncadd.s32 s6;
	_ =	sdelay $0x1  }
0xa3: {  	s24 =	simm.s32 $0x1B8B  }
0xa4: {  	_ =	swait.ge [sflag:s24], $0x1  }
0xa5: {  	[sflag:s24] =	ssyncset.done $0x0  }
0xa6: {  	s25 =	simm.s32 $0x1B8E;
	[sflag:s24] =	ssyncadd.s32 $0xFFFFFFFF  }
0xa7: {  	s26 =	simm.s32 $execute0_lowered;
	[smem:$0x3FD2] =	sst s25  }
0xa8: {  	s6 =	sshll.u32 s26, $0x1;
	_ =	strace $0x80000046;
	[dreg:$0x1] =	wrdreg $0xFFFFFFFF  }
0xa9: {  	s28 =	simm.s32 $_size_execute0_lowered;
	s5 =	sadd.s32 s5, s6;
	[dreg:$0x0] =	wrdreg $0x0  }
0xaa: {  	s6 =	sshll.u32 s28, $0x1;
	[dreg:$0x2] =	wrdreg s5  }
0xab: {  	[dreg:$0x3] =	wrdreg s6  }
0xac: {  	[dreg:$0x4] =	wrdreg $0xC0  }
0xad: {  	_ =	task [dreg:s9], $0x5FFFF  }
0xae: {  	[dreg:$0x1] =	wrdreg $0xFFFFFFFF  }
0xaf: {  	[dreg:$0x0] =	wrdreg $0x60  }
0xb0: {  	[dreg:$0x2] =	wrdreg s2  }
0xb1: {  	[dreg:$0x3] =	wrdreg s19  }
0xb2: {  	[dreg:$0x4] =	wrdreg s4  }
0xb3: {  	[dreg:$0x5] =	wrdreg $0x9  }
0xb4: {  	_ =	task.clear_ibuf [dreg:s9], $0x6FFFF;
	_ =	strace $0x90000046  }
0xb5: {  	s29 =	simm.s32 $0x9;
	_ =	strace $0x80000048  }
0xb6: {  	_ =	swait.ge [sflag:s29], $0x1  }
0xb7: {  	[sflag:s29] =	ssyncadd.s32 $0xFFFFFFFF  }
0xb8: {  	_ =	strace $0x90000048  }
0xb9: {  	_ =	sfence  }
0xba: {  	s30 =	sld [smem:$0x0];
	_ =	sdelay $0x2  }
0xbb: {  	s31 =	sshll.u32 s1, $0xD;
	s1 =	sshrl.u32 s1, $0x2  }
0xbc: {  	s3 =	sand.u32 $0x4000, s31;
	s1 =	sadd.s32 s1, s30  }
0xbd: {  	s0 =	sor.u32 s3, s0;
	s1 =	sshll.u32 s1, $0x11  }
0xbe: {  	s0 =	sor.u32 s1, s0  }
0xbf: {  	s0 =	sadd.s32 $0x8F2B, s0  }
0xc0: {  	[sflag:s0] =	ssyncadd.remote.s32 $0x1  }
0xc1: {  	_ =	sfence.sel $0xFFFF  }
0xc2: {  	[dreg:$0x0] =	wrdreg $0xFFFFFFFF;
	(pc) =	sbr.abs _section_cstart, $3  }
0xc3: {  	[dreg:$0x1] =	wrdreg $0xFFFFFFFF  }
0xc4: {  	_ =	task.clear_ibuf [dreg:s9], $0x2FFFF;
	_ =	strace $0x9FFFFFFF  }
0xc5: {  	(tm) =	ssettm $0x7FFFFFFF  }
tec
execute0_lowered:
.L_overlay_start_1:
0x0: {  	(tag) =	ssettag $0x1  }
0x1: {  	s1 =	rddreg [dreg:$0x0]  }
0x2: {  	s2 =	rddreg [dreg:$0x1]  }
0x3: {  	s4 =	rddreg [dreg:$0x2]  }
0x4: {  	s0 =	rddreg [dreg:$0x3];
	s6 =	srdreg.scid  }
0x5: {  	s5 =	simm.s32 $0x0;
	s3 =	stileid.u32;
	s10 =	simm.s32 $0x400  }
0x6: {  	s11 =	simm.s32 $0x1;
	s12 =	simm.s32 $0x1C700;
	s6 =	sand.u32 $0x1, s6  }
0x7: {  	s13 =	simm.s32 $0x0;
	s8 =	sshll.u32 s3, $0x1;
	s7 =	ssub.s32 $0x2, s6  }
0x8: {  	[smem:$0x7FF] =	sst s5;
	s6 =	sor.u32 s6, s8;
	s9 =	sshrl.u32 s7, $0x1  }
0x9: {  	_ =	strace $0x80000047;
	s6 =	smul.u32 $0x1A, s6;
	s31 =	ssub.s32 s7, s9  }
0xa: {  	s7 =	sadd.s32 $0x2000, s4;
	s9 =	simm.s32 $0x80;
	s8 =	smax.u32 s31, $0x1  }
.LBB2_1:
0xb: {  	s15 =	simm.s32 $0xFFFFFFFF;
	s14 =	simm.s32 $0x0  }
.LBB2_2:
0xc: {  	s17 =	sadd.s32 s6, s14  }
0xd: {  	s16 =	smov.u32 s15;
	s15 =	sshrl.u32 s17, $0x5  }
0xe: {  	p0 =	seq.s32 s15, s16  }
0xf: {  	s16 =	sshll.u32 @!p0 s15, $0x4  }
0x10: {  	s28 =	sshrl.u32 s17, $0x3;
	s18 =	sshll.u32 @!p0 s15, $0xB;
	s16 =	sand.u32 @!p0 $0x70, s16  }
0x11: {  	s19 =	simm.s32 @!p0 $0x400;
	s18 =	sand.u32 @!p0 $0xFFFC000, s18;
	s16 =	sadd.s32 @!p0 s1, s16  }
0x12: {  	s20 =	simm.s32 @!p0 $0x18700;
	s16 =	sadd.s32 @!p0 s18, s16;
	s18 =	simm.s32 @!p0 $0x80  }
0x13: {  	[tilespmem:s20], [sflag:$0x1] =	stream.strided.gather @!p0 [hbm4b:s16+s18], $0x4000, s19, s18, $0x38;
	[tilespmem:$0x1E700] =	vst v63  }
0x14: {  	s29 =	smul.u32 $0x30E000, s15;
	s16 =	sand.u32 $0x3, s28  }
0x15: {  	s30 =	smul.u32 $0xC3800, s16  }
0x16: {  	s17 =	sshll.u32 s17, $0x7  }
0x17: {  	s17 =	sand.u32 $0x380, s17;
	s20 =	simm.s32 @!p0 $0x1;
	s18 =	sadd.s32 s29, s30  }
0x18: {  	_ =	swait.ge @!p0 [sflag:s20], $0x4000;
	s18 =	sor.u32 s17, s18  }
0x19: {  	[sflag:s20] =	ssyncset.done @!p0 $0x0;
	s18 =	sshrl.u32 s18, $0x3  }
0x1a: {  	s31 =	simm.s32 $0x0;
	[sflag:s20] =	ssyncadd.s32 @!p0 $0xFFFFC000;
	s18 =	sadd.s32 s2, s18  }
0x1b: {  	[tilespmem:s31], [sflag:$0x1] =	stream.strided.gather [hbm4b:s18+s9], $0x18700, s10, s9, $0x38;
	[tilespmem:$0x1E700] =	vst v63  }
0x1c: {  	_ =	swait.ge [sflag:s11], $0x18700  }
0x1d: {  	[sflag:s11] =	ssyncset.done $0x0  }
0x1e: {  	s18 =	simm.s32 $0x0;
	[sflag:s11] =	ssyncadd.s32 $0xFFFE7900  }
0x1f: {  	v0 =	vld [tilespmem:s18+$0x18700];
	_ =	sdelay $0x4  }
0x20: {  	vm0 =	vgt.s32 v0, $0x0  }
0x21: {  	v1 =	vld [tilespmem:s18+$0x18710];
	v0 =	vnsel vm0, $0x0, v0;
	_ =	sdelay $0x4  }
0x22: {  	vm9 =	vgt.s32 v1, $0x0;
	v0 =	vld.idx.msk [tilespmem:v0+s5+$0x0], $0xffff  }
0x23: {  	v2 =	vld [tilespmem:s18+$0x18720];
	v1 =	vnsel vm9, $0x0, v1;
	_ =	sdelay $0x3  }
0x24: {  	[tilespmem:s18+$0x1C700] =	vst v0  }
0x25: {  	vm10 =	vgt.s32 v2, $0x0;
	v0 =	vld.idx.msk [tilespmem:v1+s5+$0x0], $0xffff  }
0x26: {  	v1 =	vnsel vm10, $0x0, v2;
	v2 =	vld [tilespmem:s18+$0x18730];
	_ =	sdelay $0x3  }
0x27: {  	[tilespmem:s18+$0x1C710] =	vst v0  }
0x28: {  	vm11 =	vgt.s32 v2, $0x0;
	v0 =	vld.idx.msk [tilespmem:v1+s5+$0x0], $0xffff  }
0x29: {  	v1 =	vnsel vm11, $0x0, v2;
	v2 =	vld [tilespmem:s18+$0x18740];
	_ =	sdelay $0x3  }
0x2a: {  	[tilespmem:s18+$0x1C720] =	vst v0  }
0x2b: {  	vm12 =	vgt.s32 v2, $0x0;
	v0 =	vld.idx.msk [tilespmem:v1+s5+$0x0], $0xffff  }
0x2c: {  	v1 =	vnsel vm12, $0x0, v2;
	v2 =	vld [tilespmem:s18+$0x18750];
	_ =	sdelay $0x3  }
0x2d: {  	[tilespmem:s18+$0x1C730] =	vst v0  }
0x2e: {  	vm13 =	vgt.s32 v2, $0x0;
	v0 =	vld.idx.msk [tilespmem:v1+s5+$0x0], $0xffff  }
0x2f: {  	v1 =	vnsel vm13, $0x0, v2;
	v2 =	vld [tilespmem:s18+$0x18760];
	_ =	sdelay $0x3  }
0x30: {  	[tilespmem:s18+$0x1C740] =	vst v0  }
0x31: {  	vm14 =	vgt.s32 v2, $0x0;
	v0 =	vld.idx.msk [tilespmem:v1+s5+$0x0], $0xffff  }
0x32: {  	v1 =	vld [tilespmem:s18+$0x18770];
	v2 =	vnsel vm14, $0x0, v2;
	_ =	sdelay $0x3  }
0x33: {  	[tilespmem:s18+$0x1C750] =	vst v0  }
0x34: {  	vm15 =	vgt.s32 v1, $0x0;
	v0 =	vld.idx.msk [tilespmem:v2+s5+$0x0], $0xffff  }
0x35: {  	s19 =	simm.s32 $0x400;
	s20 =	simm.s32 $0x80;
	v1 =	vnsel vm15, $0x0, v1  }
.LBB2_3:
0x36: {  	p0 =	sne.s32 s19, $0x7E00;
	v2 =	vld [tilespmem:s20+$0x18700];
	_ =	sdelay $0x2  }
0x37: {  	[tilespmem:s18+$0x1C760] =	vst v0  }
0x38: {  	v0 =	vld.idx.msk [tilespmem:v1+s5+$0x0], $0xffff  }
0x39: {  	vm0 =	vgt.s32 v2, $0x0  }
0x3a: {  	v1 =	vnsel vm0, $0x0, v2  }
0x3b: {  	v2 =	vld [tilespmem:s20+$0x18710];
	_ =	sdelay $0x2  }
0x3c: {  	[tilespmem:s18+$0x1C770] =	vst v0;
	s18 =	smov.u32 s20  }
0x3d: {  	v0 =	vld.idx.msk [tilespmem:v1+s5+$0x0], $0xffff  }
0x3e: {  	vm0 =	vgt.s32 v2, $0x0  }
0x3f: {  	v1 =	vnsel vm0, $0x0, v2  }
0x40: {  	v2 =	vld [tilespmem:s18+$0x18720];
	_ =	sdelay $0x2  }
0x41: {  	[tilespmem:s18+$0x1C700] =	vst v0  }
0x42: {  	v0 =	vld.idx.msk [tilespmem:v1+s5+$0x0], $0xffff  }
0x43: {  	vm0 =	vgt.s32 v2, $0x0  }
0x44: {  	v1 =	vnsel vm0, $0x0, v2  }
0x45: {  	v2 =	vld [tilespmem:s18+$0x18730];
	_ =	sdelay $0x2  }
0x46: {  	[tilespmem:s18+$0x1C710] =	vst v0  }
0x47: {  	v0 =	vld.idx.msk [tilespmem:v1+s5+$0x0], $0xffff  }
0x48: {  	vm0 =	vgt.s32 v2, $0x0  }
0x49: {  	v1 =	vnsel vm0, $0x0, v2  }
0x4a: {  	v2 =	vld [tilespmem:s18+$0x18740];
	_ =	sdelay $0x2  }
0x4b: {  	[tilespmem:s18+$0x1C720] =	vst v0  }
0x4c: {  	v0 =	vld.idx.msk [tilespmem:v1+s5+$0x0], $0xffff  }
0x4d: {  	vm0 =	vgt.s32 v2, $0x0  }
0x4e: {  	v1 =	vnsel vm0, $0x0, v2  }
0x4f: {  	v2 =	vld [tilespmem:s18+$0x18750];
	_ =	sdelay $0x2  }
0x50: {  	[tilespmem:s18+$0x1C730] =	vst v0  }
0x51: {  	v0 =	vld.idx.msk [tilespmem:v1+s5+$0x0], $0xffff  }
0x52: {  	vm0 =	vgt.s32 v2, $0x0  }
0x53: {  	v1 =	vnsel vm0, $0x0, v2  }
0x54: {  	v2 =	vld [tilespmem:s18+$0x18760];
	_ =	sdelay $0x2  }
0x55: {  	[tilespmem:s18+$0x1C740] =	vst v0  }
0x56: {  	v0 =	vld.idx.msk [tilespmem:v1+s5+$0x0], $0xffff  }
0x57: {  	vm0 =	vgt.s32 v2, $0x0  }
0x58: {  	v1 =	vnsel vm0, $0x0, v2  }
0x59: {  	v2 =	vld [tilespmem:s18+$0x18770];
	_ =	sdelay $0x1  }
.Ltmp0:
0x5a: {  	(pc) =	sbr.rel @p0 .LBB2_3-.Ltmp0, $4  }
0x5b: {  	[tilespmem:s18+$0x1C750] =	vst v0  }
0x5c: {  	v0 =	vld.idx.msk [tilespmem:v1+s5+$0x0], $0xffff  }
0x5d: {  	vm0 =	vgt.s32 v2, $0x0  }
0x5e: {  	s20 =	sshra.s32 s19, $0x2;
	s19 =	sadd.s32 $0x200, s19;
	v1 =	vnsel vm0, $0x0, v2  }
0x5f: {  	v2 =	vld [tilespmem:s20+$0x18700];
	_ =	sdelay $0x3  }
0x60: {  	[tilespmem:s18+$0x1C760] =	vst v0  }
0x61: {  	v0 =	vld.idx.msk [tilespmem:v1+s5+$0x0], $0xffff;
	vm0 =	vgt.s32 v2, $0x0  }
0x62: {  	v1 =	vnsel vm0, $0x0, v2;
	v2 =	vld [tilespmem:s20+$0x18710];
	_ =	sdelay $0x3  }
0x63: {  	[tilespmem:s18+$0x1C770] =	vst v0  }
0x64: {  	v0 =	vld.idx.msk [tilespmem:v1+s5+$0x0], $0xffff;
	vm13 =	vgt.s32 v2, $0x0  }
0x65: {  	v1 =	vnsel vm13, $0x0, v2;
	v2 =	vld [tilespmem:s20+$0x18720];
	_ =	sdelay $0x3  }
0x66: {  	[tilespmem:s20+$0x1C700] =	vst v0  }
0x67: {  	v0 =	vld.idx.msk [tilespmem:v1+s5+$0x0], $0xffff;
	vm14 =	vgt.s32 v2, $0x0  }
0x68: {  	v1 =	vnsel vm14, $0x0, v2;
	v2 =	vld [tilespmem:s20+$0x18730];
	_ =	sdelay $0x3  }
0x69: {  	[tilespmem:s20+$0x1C710] =	vst v0  }
0x6a: {  	v0 =	vld.idx.msk [tilespmem:v1+s5+$0x0], $0xffff;
	vm15 =	vgt.s32 v2, $0x0  }
0x6b: {  	v1 =	vnsel vm15, $0x0, v2;
	v2 =	vld [tilespmem:s20+$0x18740];
	_ =	sdelay $0x3  }
0x6c: {  	[tilespmem:s20+$0x1C720] =	vst v0  }
0x6d: {  	v0 =	vld.idx.msk [tilespmem:v1+s5+$0x0], $0xffff;
	vm4 =	vgt.s32 v2, $0x0  }
0x6e: {  	v1 =	vnsel vm4, $0x0, v2;
	v2 =	vld [tilespmem:s20+$0x18750];
	_ =	sdelay $0x3  }
0x6f: {  	[tilespmem:s20+$0x1C730] =	vst v0  }
0x70: {  	v0 =	vld.idx.msk [tilespmem:v1+s5+$0x0], $0xffff;
	vm5 =	vgt.s32 v2, $0x0  }
0x71: {  	v1 =	vnsel vm5, $0x0, v2;
	v2 =	vld [tilespmem:s20+$0x18760];
	_ =	sdelay $0x3  }
0x72: {  	[tilespmem:s20+$0x1C740] =	vst v0  }
0x73: {  	v0 =	vld.idx.msk [tilespmem:v1+s5+$0x0], $0xffff;
	vm6 =	vgt.s32 v2, $0x0  }
0x74: {  	v1 =	vnsel vm6, $0x0, v2;
	v2 =	vld [tilespmem:s20+$0x18770];
	_ =	sdelay $0x3  }
0x75: {  	[tilespmem:s20+$0x1C750] =	vst v0  }
0x76: {  	v0 =	vld.idx.msk [tilespmem:v1+s5+$0x0], $0xffff;
	vm7 =	vgt.s32 v2, $0x0  }
0x77: {  	v1 =	vnsel vm7, $0x0, v2;
	_ =	sdelay $0x3  }
0x78: {  	[tilespmem:s20+$0x1C760] =	vst v0  }
0x79: {  	v0 =	vld.idx.msk [tilespmem:v1+s5+$0x0], $0xffff  }
0x7a: {  	s30 =	sshll.u32 s15, $0x13;
	s16 =	sshll.u32 s16, $0x11  }
0x7b: {  	s16 =	sor.u32 s30, s16  }
0x7c: {  	s16 =	sor.u32 s17, s16  }
0x7d: {  	s16 =	sshrl.u32 s16, $0x3  }
0x7e: {  	s31 =	sadd.s32 s4, s16;
	[tilespmem:s20+$0x1C770] =	vst v0  }
0x7f: {  	[hbm4b:s31+s9] =	stream.strided.scatter [tilespmem:s12], [sflag:$0x1], $0x2000, s10, s9, $0x38;
	[tilespmem:$0x1E700] =	vst v63  }
0x80: {  	_ =	swait.ge [sflag:s11], $0x2000  }
0x81: {  	[sflag:s11] =	ssyncset.done $0x0  }
0x82: {  	s17 =	simm.s32 $0x40;
	[sflag:s11] =	ssyncadd.s32 $0xFFFFE000  }
0x83: {  	v0 =	vld [tilespmem:s17+$0x1A6C0];
	_ =	sdelay $0x4  }
0x84: {  	vm8 =	vgt.s32 v0, $0x0  }
0x85: {  	v1 =	vld [tilespmem:s17+$0x1A6D0];
	v0 =	vnsel vm8, $0x0, v0;
	_ =	sdelay $0x4  }
0x86: {  	vm9 =	vgt.s32 v1, $0x0;
	v0 =	vld.idx.msk [tilespmem:v0+s5+$0x0], $0xffff  }
0x87: {  	v2 =	vld [tilespmem:s17+$0x1A6E0];
	v1 =	vnsel vm9, $0x0, v1;
	_ =	sdelay $0x3  }
0x88: {  	[tilespmem:s17+$0x1C6C0] =	vst v0  }
0x89: {  	vm10 =	vgt.s32 v2, $0x0;
	v0 =	vld.idx.msk [tilespmem:v1+s5+$0x0], $0xffff  }
0x8a: {  	v1 =	vnsel vm10, $0x0, v2;
	v2 =	vld [tilespmem:s17+$0x1A6F0];
	_ =	sdelay $0x3  }
0x8b: {  	[tilespmem:s17+$0x1C6D0] =	vst v0  }
0x8c: {  	vm11 =	vgt.s32 v2, $0x0;
	v0 =	vld.idx.msk [tilespmem:v1+s5+$0x0], $0xffff  }
0x8d: {  	v1 =	vnsel vm11, $0x0, v2;
	v2 =	vld [tilespmem:s17+$0x1A700];
	_ =	sdelay $0x3  }
0x8e: {  	[tilespmem:s17+$0x1C6E0] =	vst v0  }
0x8f: {  	vm12 =	vgt.s32 v2, $0x0;
	v0 =	vld.idx.msk [tilespmem:v1+s5+$0x0], $0xffff  }
0x90: {  	v1 =	vnsel vm12, $0x0, v2;
	v2 =	vld [tilespmem:s17+$0x1A710];
	_ =	sdelay $0x3  }
0x91: {  	[tilespmem:s17+$0x1C6F0] =	vst v0  }
0x92: {  	vm13 =	vgt.s32 v2, $0x0;
	v0 =	vld.idx.msk [tilespmem:v1+s5+$0x0], $0xffff  }
0x93: {  	v1 =	vnsel vm13, $0x0, v2;
	v2 =	vld [tilespmem:s17+$0x1A720];
	_ =	sdelay $0x3  }
0x94: {  	[tilespmem:s17+$0x1C700] =	vst v0  }
0x95: {  	vm14 =	vgt.s32 v2, $0x0;
	v0 =	vld.idx.msk [tilespmem:v1+s5+$0x0], $0xffff  }
0x96: {  	v1 =	vld [tilespmem:s17+$0x1A730];
	v2 =	vnsel vm14, $0x0, v2;
	_ =	sdelay $0x3  }
0x97: {  	[tilespmem:s17+$0x1C710] =	vst v0  }
0x98: {  	vm15 =	vgt.s32 v1, $0x0;
	v0 =	vld.idx.msk [tilespmem:v2+s5+$0x0], $0xffff  }
0x99: {  	s19 =	simm.s32 $0xC0;
	s18 =	simm.s32 $0x500;
	v1 =	vnsel vm15, $0x0, v1  }
.LBB2_5:
0x9a: {  	p0 =	sne.s32 s18, $0x7F00;
	v2 =	vld [tilespmem:s19+$0x1A6C0];
	_ =	sdelay $0x2  }
0x9b: {  	[tilespmem:s17+$0x1C720] =	vst v0  }
0x9c: {  	v0 =	vld.idx.msk [tilespmem:v1+s5+$0x0], $0xffff  }
0x9d: {  	vm0 =	vgt.s32 v2, $0x0  }
0x9e: {  	v1 =	vnsel vm0, $0x0, v2  }
0x9f: {  	v2 =	vld [tilespmem:s19+$0x1A6D0];
	_ =	sdelay $0x2  }
0xa0: {  	[tilespmem:s17+$0x1C730] =	vst v0;
	s17 =	smov.u32 s19  }
0xa1: {  	v0 =	vld.idx.msk [tilespmem:v1+s5+$0x0], $0xffff  }
0xa2: {  	vm0 =	vgt.s32 v2, $0x0  }
0xa3: {  	v1 =	vnsel vm0, $0x0, v2  }
0xa4: {  	v2 =	vld [tilespmem:s17+$0x1A6E0];
	_ =	sdelay $0x2  }
0xa5: {  	[tilespmem:s17+$0x1C6C0] =	vst v0  }
0xa6: {  	v0 =	vld.idx.msk [tilespmem:v1+s5+$0x0], $0xffff  }
0xa7: {  	vm0 =	vgt.s32 v2, $0x0  }
0xa8: {  	v1 =	vnsel vm0, $0x0, v2  }
0xa9: {  	v2 =	vld [tilespmem:s17+$0x1A6F0];
	_ =	sdelay $0x2  }
0xaa: {  	[tilespmem:s17+$0x1C6D0] =	vst v0  }
0xab: {  	v0 =	vld.idx.msk [tilespmem:v1+s5+$0x0], $0xffff  }
0xac: {  	vm0 =	vgt.s32 v2, $0x0  }
0xad: {  	v1 =	vnsel vm0, $0x0, v2  }
0xae: {  	v2 =	vld [tilespmem:s17+$0x1A700];
	_ =	sdelay $0x2  }
0xaf: {  	[tilespmem:s17+$0x1C6E0] =	vst v0  }
0xb0: {  	v0 =	vld.idx.msk [tilespmem:v1+s5+$0x0], $0xffff  }
0xb1: {  	vm0 =	vgt.s32 v2, $0x0  }
0xb2: {  	v1 =	vnsel vm0, $0x0, v2  }
0xb3: {  	v2 =	vld [tilespmem:s17+$0x1A710];
	_ =	sdelay $0x2  }
0xb4: {  	[tilespmem:s17+$0x1C6F0] =	vst v0  }
0xb5: {  	v0 =	vld.idx.msk [tilespmem:v1+s5+$0x0], $0xffff  }
0xb6: {  	vm0 =	vgt.s32 v2, $0x0  }
0xb7: {  	v1 =	vnsel vm0, $0x0, v2  }
0xb8: {  	v2 =	vld [tilespmem:s17+$0x1A720];
	_ =	sdelay $0x2  }
0xb9: {  	[tilespmem:s17+$0x1C700] =	vst v0  }
0xba: {  	v0 =	vld.idx.msk [tilespmem:v1+s5+$0x0], $0xffff  }
0xbb: {  	vm0 =	vgt.s32 v2, $0x0  }
0xbc: {  	v1 =	vnsel vm0, $0x0, v2  }
0xbd: {  	v2 =	vld [tilespmem:s17+$0x1A730];
	_ =	sdelay $0x1  }
.Ltmp1:
0xbe: {  	(pc) =	sbr.rel @p0 .LBB2_5-.Ltmp1, $4  }
0xbf: {  	[tilespmem:s17+$0x1C710] =	vst v0  }
0xc0: {  	v0 =	vld.idx.msk [tilespmem:v1+s5+$0x0], $0xffff  }
0xc1: {  	vm0 =	vgt.s32 v2, $0x0  }
0xc2: {  	s19 =	sshra.s32 s18, $0x2;
	s18 =	sadd.s32 $0x200, s18;
	v1 =	vnsel vm0, $0x0, v2  }
0xc3: {  	v2 =	vld [tilespmem:s19+$0x1A6C0];
	_ =	sdelay $0x3  }
0xc4: {  	[tilespmem:s17+$0x1C720] =	vst v0  }
0xc5: {  	v0 =	vld.idx.msk [tilespmem:v1+s5+$0x0], $0xffff;
	vm0 =	vgt.s32 v2, $0x0  }
0xc6: {  	v50 =	vld [tilespmem:s19+$0x1A6D0];
	v49 =	vnsel vm0, $0x0, v2;
	_ =	sdelay $0x3  }
0xc7: {  	[tilespmem:s17+$0x1C730] =	vst v0  }
0xc8: {  	vm9 =	vgt.s32 v50, $0x0;
	v0 =	vld.idx.msk [tilespmem:v49+s5+$0x0], $0xffff  }
0xc9: {  	v51 =	vnsel vm9, $0x0, v50;
	v52 =	vld [tilespmem:s19+$0x1A6E0];
	_ =	sdelay $0x3  }
0xca: {  	[tilespmem:s19+$0x1C6C0] =	vst v0  }
0xcb: {  	vm10 =	vgt.s32 v52, $0x0;
	v0 =	vld.idx.msk [tilespmem:v51+s5+$0x0], $0xffff  }
0xcc: {  	v54 =	vld [tilespmem:s19+$0x1A6F0];
	v53 =	vnsel vm10, $0x0, v52;
	_ =	sdelay $0x3  }
0xcd: {  	[tilespmem:s19+$0x1C6D0] =	vst v0  }
0xce: {  	vm11 =	vgt.s32 v54, $0x0;
	v0 =	vld.idx.msk [tilespmem:v53+s5+$0x0], $0xffff  }
0xcf: {  	v56 =	vld [tilespmem:s19+$0x1A700];
	v55 =	vnsel vm11, $0x0, v54;
	_ =	sdelay $0x3  }
0xd0: {  	[tilespmem:s19+$0x1C6E0] =	vst v0  }
0xd1: {  	vm12 =	vgt.s32 v56, $0x0;
	v0 =	vld.idx.msk [tilespmem:v55+s5+$0x0], $0xffff  }
0xd2: {  	v58 =	vld [tilespmem:s19+$0x1A710];
	v57 =	vnsel vm12, $0x0, v56;
	_ =	sdelay $0x3  }
0xd3: {  	[tilespmem:s19+$0x1C6F0] =	vst v0  }
0xd4: {  	vm13 =	vgt.s32 v58, $0x0;
	v0 =	vld.idx.msk [tilespmem:v57+s5+$0x0], $0xffff  }
0xd5: {  	v60 =	vld [tilespmem:s19+$0x1A720];
	v59 =	vnsel vm13, $0x0, v58;
	_ =	sdelay $0x3  }
0xd6: {  	[tilespmem:s19+$0x1C700] =	vst v0  }
0xd7: {  	vm14 =	vgt.s32 v60, $0x0;
	v0 =	vld.idx.msk [tilespmem:v59+s5+$0x0], $0xffff  }
0xd8: {  	v62 =	vld [tilespmem:s19+$0x1A730];
	v61 =	vnsel vm14, $0x0, v60;
	_ =	sdelay $0x3  }
0xd9: {  	[tilespmem:s19+$0x1C710] =	vst v0  }
0xda: {  	vm15 =	vgt.s32 v62, $0x0;
	v0 =	vld.idx.msk [tilespmem:v61+s5+$0x0], $0xffff  }
0xdb: {  	v63 =	vnsel vm15, $0x0, v62;
	_ =	sdelay $0x3  }
0xdc: {  	[tilespmem:s19+$0x1C720] =	vst v0  }
0xdd: {  	v0 =	vld.idx.msk [tilespmem:v63+s5+$0x0], $0xffff;
	_ =	sdelay $0x2  }
0xde: {  	s14 =	sadd.s32 $0x1, s14  }
0xdf: {  	p0 =	sne.s32 s14, $0x1A  }
.Ltmp2:
0xe0: {  	s16 =	sadd.s32 s16, s7;
	[tilespmem:s19+$0x1C730] =	vst v0;
	(pc) =	sbr.rel @p0 .LBB2_2-.Ltmp2, $4  }
0xe1: {  	[hbm4b:s16+s9] =	stream.strided.scatter [tilespmem:s12], [sflag:$0x1], $0x2000, s10, s9, $0x38;
	[tilespmem:$0x1E700] =	vst v63  }
0xe2: {  	_ =	swait.ge [sflag:s11], $0x2000  }
0xe3: {  	[sflag:s11] =	ssyncset.done $0x0  }
0xe4: {  	[sflag:s11] =	ssyncadd.s32 $0xFFFFE000  }
0xe5: {  	s13 =	sadd.s32 $0x1, s13  }
0xe6: {  	p0 =	sne.s32 s13, s8  }
.Ltmp3:
0xe7: {  	_ = 	snop;
	(pc) =	sbr.rel @p0 .LBB2_1-.Ltmp3, $1  }
0xe8: {  	_ =	sdelay $0x3  }
0xe9: {  	_ =	sfence.sel $0x180000  }
0xea: {  	[bflag:$0x0] =	sbarrier.arrive $0xFFFF  }
0xeb: {  	p0 =	sne.s32 s3, $0x0;
	_ =	strace $0x90000047  }
0xec: {  	s0 =	sadd.s32 @!p0 $0x100000, s0;
	[bflag:$0x2] =	sbarrier.arrive $0xFFFF  }
0xed: {  	[sflag:s0] =	ssyncadd.tile.s32 @!p0 $0x1;
	_ =	shalt  }
.Lfunc_end2:
_tile_overlayer_lowered:
.L_overlay_start_2:
0xee: {  	(tag) =	ssettag $0x2  }
0xef: {  	s0 =	rddreg [dreg:$0x0];
	s2 =	stileid.u32  }
0xf0: {  	s1 =	rddreg [dreg:$0x1];
	p0 =	sne.s32 s2, $0x0  }
0xf1: {  	s3 =	rddreg [dreg:$0x2];
	[bflag:$0x3] =	sbarrier.arrive $0xFFFF;
	s2 =	simm.s32 @!p0 $0x1C01  }
0xf2: {  	[timem:s3], [sflag:s2] =	dma.local @!p0 [hbm:s0], s1  }
0xf3: {  	s0 =	simm.s32 @!p0 $0x1  }
0xf4: {  	_ =	swait.ge @!p0 [sflag:s0], s1  }
0xf5: {  	s1 =	ssub.s32 @!p0 $0x0, s1;
	[sflag:s0] =	ssyncset.done @!p0 $0x0  }
0xf6: {  	[sflag:s0] =	ssyncadd.s32 @!p0 s1  }
0xf7: {  	[bflag:$0x3] =	sbarrier.arrive $0xFFFF  }
0xf8: {  	_ =	shalt  }

</sc_bundles>
